<compile_context>
chip_gen: v7x
topology: tpu7x:2x2x1
jax: 0.10.2.dev20260603
libtpu: 0.0.44.dev20260713+nightly
codegen_flags: <defaults>
</compile_context>

<pallas_src>
import functools

import jax
import jax.numpy as jnp
from jax import lax
from jax.experimental import pallas as pl
from jax.experimental.pallas import tpu as pltpu
from jax.experimental.pallas import tpu_sc as plsc

_NC = 2
_NS = 16
_NW = _NC * _NS
_CHUNK = 32
_NCHUNK = 16
_NBUF = 2
_BPW = _CHUNK * _NCHUNK
_D = 1024


def _sc_gather(idx_hbm, table_hbm, out_hbm, idx_v, rows_v, gsem, ssem):
    wid = lax.axis_index("s") * _NC + lax.axis_index("c")
    base = wid * _BPW

    wpr = idx_hbm.shape[1] // _BPW
    pltpu.sync_copy(
        idx_hbm.at[wid // wpr, pl.ds((wid % wpr) * _BPW, _BPW)], idx_v)

    def g_start(c):
        return pltpu.async_copy(
            table_hbm.at[idx_v.at[pl.ds(c * _CHUNK, _CHUNK)]],
            rows_v.at[c % _NBUF], gsem)

    def s_start(c):
        return pltpu.async_copy(
            rows_v.at[c % _NBUF],
            out_hbm.at[pl.ds(base + c * _CHUNK, _CHUNK)], ssem)

    def g_wait():
        pltpu.make_async_copy(
            table_hbm.at[pl.ds(0, _CHUNK)], rows_v.at[0], gsem).wait()

    def s_wait():
        pltpu.make_async_copy(
            rows_v.at[0], out_hbm.at[pl.ds(base, _CHUNK)], ssem).wait()

    for c in range(_NBUF - 1):
        g_start(c)
    g_start(_NBUF - 1)
    g_wait()
    s_start(0)

    def body(c, carry):
        s_wait()
        g_start(c + _NBUF - 1)
        g_wait()
        s_start(c)
        return carry

    lax.fori_loop(1, _NCHUNK - _NBUF + 1, body, 0)

    for c in range(_NCHUNK - _NBUF + 1, _NCHUNK):
        g_wait()
        s_start(c)
    for _ in range(_NBUF):
        s_wait()


@jax.jit
def _run(idx, table):
    k = functools.partial(
        pl.kernel,
        mesh=plsc.VectorSubcoreMesh(core_axis_name="c", subcore_axis_name="s"),
        out_type=jax.ShapeDtypeStruct((_NW * _BPW, _D), jnp.float32),
        scratch_types=[
            pltpu.VMEM((_BPW,), jnp.int32),
            pltpu.VMEM((_NBUF, _CHUNK, _D), jnp.float32),
            pltpu.SemaphoreType.DMA,
            pltpu.SemaphoreType.DMA,
        ],
    )(_sc_gather)
    return k(idx, table)


def kernel(positions, table):
    b, s = positions.shape
    out = _run(positions.astype(jnp.int32), table)
    return out.reshape(b, s, _D)

# --- scband reference (transcript-rebuilt; emitter-appended) ---
"""Pipeline reference for scband-learnable-positional-embedding-57947698758106 (READ-ONLY COPY).

The authoritative reference and input builder live on the scoring server;
editing this copy changes nothing except your own understanding.
"""

import jax, jax.numpy as jnp
import numpy as np

MAX_LENGTH = 8192
EMBED_DIM = 1024
BATCH = 4
SEQ_LEN = 4096


def setup_inputs(seed: int = 0) -> dict:
    key = jax.random.key(seed)
    k1, k2 = jax.random.split(key)
    positions = jax.random.randint(k1, (BATCH, SEQ_LEN), 0, MAX_LENGTH, dtype=jnp.int64 if jax.config.jax_enable_x64 else jnp.int32)
    table = jax.random.normal(k2, (MAX_LENGTH, EMBED_DIM), dtype=jnp.float32)
    return {"positions": positions, "table": table}


def reference(positions, table):
    # nn.Embedding forward: gather rows of the table by index
    return jnp.take(table, positions, axis=0)

if __name__ == "__main__":
    import jax
    _d = setup_inputs()
    print(jax.jit(kernel)(*tuple(_d.values())))

</pallas_src>

<mosaic_0001>
#map = affine_map<(d0, d1) -> (0, 0)>
module attributes {stable_mosaic.version = 14 : i64} {
  func.func @_sc_gather(%arg0: i32, %arg1: i32, %arg2: memref<4x4096xi32, #tpu.memory_space<hbm>>, %arg3: memref<8192x1024xf32, #tpu.memory_space<hbm>>, %arg4: memref<16384x1024xf32, #tpu.memory_space<hbm>>, %arg5: memref<512xi32, #tpu.memory_space<vmem>>, %arg6: memref<2x32x1024xf32, #tpu.memory_space<vmem>>, %arg7: memref<!tpu.dma_semaphore, #tpu.memory_space<semaphore_mem>>, %arg8: memref<!tpu.dma_semaphore, #tpu.memory_space<semaphore_mem>>) attributes {dimension_semantics = [#tpu.dimension_semantics<core_parallel>, #tpu.dimension_semantics<subcore_parallel>], iteration_bounds = array<i64: 2, 16>, scalar_prefetch = 0 : i64, scratch_operands = 4 : i64, tpu.core_type = #tpu.core_type<sc_vector_subcore>, window_params = [{transform_indices = #map}, {transform_indices = #map}, {transform_indices = #map}]} {
    %mul3A = arith.constant 2 : i32
    %mul3A_0 = arith.muli %arg1, %mul3A : i32
    %add3A = arith.addi %mul3A_0, %arg0 : i32
    %mul3A_1 = arith.constant 512 : i32
    %mul3A_2 = arith.muli %add3A, %mul3A_1 : i32
    %jit3A = arith.constant 8 : i32
    %div3A = arith.divsi %add3A, %jit3A : i32
    %sign3A = arith.constant 0 : i32
    %sign3A_3 = arith.cmpi sgt, %add3A, %sign3A : i32
    %sign3A_4 = arith.extui %sign3A_3 : i1 to i32
    %sign3A_5 = arith.constant 0 : i32
    %sign3A_6 = arith.cmpi slt, %add3A, %sign3A_5 : i32
    %sign3A_7 = arith.extui %sign3A_6 : i1 to i32
    %sign3A_8 = arith.subi %sign3A_4, %sign3A_7 : i32
    %sign3A_9 = arith.constant 0 : i32
    %sign3A_10 = arith.cmpi sgt, %jit3A, %sign3A_9 : i32
    %sign3A_11 = arith.extui %sign3A_10 : i1 to i32
    %sign3A_12 = arith.constant 0 : i32
    %sign3A_13 = arith.cmpi slt, %jit3A, %sign3A_12 : i32
    %sign3A_14 = arith.extui %sign3A_13 : i1 to i32
    %sign3A_15 = arith.subi %sign3A_11, %sign3A_14 : i32
    %ne3A = arith.cmpi ne, %sign3A_8, %sign3A_15 : i32
    %rem3A = arith.remsi %add3A, %jit3A : i32
    %ne3A_16 = arith.constant 0 : i32
    %ne3A_17 = arith.cmpi ne, %rem3A, %ne3A_16 : i32
    %and3A = arith.andi %ne3A, %ne3A_17 : i1
    %sub3A = arith.constant 1 : i32
    %sub3A_18 = arith.subi %div3A, %sub3A : i32
    %select_n3A = arith.select %and3A, %sub3A_18, %div3A : i32
    %jit3A_19 = arith.constant 8 : i32
    %eq3A = arith.constant 0 : i32
    %eq3A_20 = arith.cmpi eq, %jit3A_19, %eq3A : i32
    %jit3A_21 = arith.constant 1 : i32
    %select_n3A_22 = arith.select %eq3A_20, %jit3A_21, %jit3A_19 : i32
    %rem3A_23 = arith.remsi %add3A, %select_n3A_22 : i32
    %ne3A_24 = arith.constant 0 : i32
    %ne3A_25 = arith.cmpi ne, %rem3A_23, %ne3A_24 : i32
    %lt3A = arith.constant 0 : i32
    %lt3A_26 = arith.cmpi slt, %rem3A_23, %lt3A : i32
    %lt3A_27 = arith.constant 0 : i32
    %lt3A_28 = arith.cmpi slt, %select_n3A_22, %lt3A_27 : i32
    %ne3A_29 = arith.xori %lt3A_26, %lt3A_28 : i1
    %and3A_30 = arith.andi %ne3A_29, %ne3A_25 : i1
    %add3A_31 = arith.addi %rem3A_23, %select_n3A_22 : i32
    %select_n3A_32 = arith.select %and3A_30, %add3A_31, %rem3A_23 : i32
    %mul3A_33 = arith.constant 512 : i32
    %mul3A_34 = arith.muli %select_n3A_32, %mul3A_33 : i32
    "tpu.region"() ({
      %run_scoped3A = tpu.sem_alloc : memref<!tpu.dma_semaphore, #tpu.memory_space<semaphore_mem>>
      %dma_start3A_144 = tpu.memref_slice %arg2[%select_n3A, %mul3A_34] : memref<4x4096xi32, #tpu.memory_space<hbm>> -> memref<1x512xi32, #tpu.memory_space<hbm>>
      %dma_start3A_145 = tpu.memref_squeeze %dma_start3A_144 : memref<1x512xi32, #tpu.memory_space<hbm>> -> memref<512xi32, #tpu.memory_space<hbm>>
      %dma_start3A_146 = tpu.memref_slice %arg2[%select_n3A, %mul3A_34] : memref<4x4096xi32, #tpu.memory_space<hbm>> -> memref<1x512xi32, #tpu.memory_space<hbm>>
      %dma_start3A_147 = tpu.memref_squeeze %dma_start3A_146 : memref<1x512xi32, #tpu.memory_space<hbm>> -> memref<512xi32, #tpu.memory_space<hbm>>
      tpu.enqueue_dma source(%dma_start3A_147 : memref<512xi32, #tpu.memory_space<hbm>>) target(%arg5 : memref<512xi32, #tpu.memory_space<vmem>>) target_semaphore(%run_scoped3A : memref<!tpu.dma_semaphore, #tpu.memory_space<semaphore_mem>>)
      %dma_wait3A_148 = tpu.memref_slice %arg2[%select_n3A, %mul3A_34] : memref<4x4096xi32, #tpu.memory_space<hbm>> -> memref<1x512xi32, #tpu.memory_space<hbm>>
      %dma_wait3A_149 = tpu.memref_squeeze %dma_wait3A_148 : memref<1x512xi32, #tpu.memory_space<hbm>> -> memref<512xi32, #tpu.memory_space<hbm>>
      %dma_wait3A_150 = tpu.memref_slice %arg2[%select_n3A, %mul3A_34] : memref<4x4096xi32, #tpu.memory_space<hbm>> -> memref<1x512xi32, #tpu.memory_space<hbm>>
      %dma_wait3A_151 = tpu.memref_squeeze %dma_wait3A_150 : memref<1x512xi32, #tpu.memory_space<hbm>> -> memref<512xi32, #tpu.memory_space<hbm>>
      tpu.wait_dma2 semaphore(%run_scoped3A : memref<!tpu.dma_semaphore, #tpu.memory_space<semaphore_mem>>) src(%dma_wait3A_151 : memref<512xi32, #tpu.memory_space<hbm>>) dst(%arg5 : memref<512xi32, #tpu.memory_space<vmem>>)
      tpu.yield
    }) : () -> ()
    %dma_start3A = arith.constant 0 : i32
    %dma_start3A_35 = arith.constant 0 : i32
    %dma_start3A_36 = arith.constant 0 : i32
    %dma_start3A_37 = tpu.memref_slice %arg6[%dma_start3A, %dma_start3A_35, %dma_start3A_36] : memref<2x32x1024xf32, #tpu.memory_space<vmem>> -> memref<1x32x1024xf32, #tpu.memory_space<vmem>>
    %dma_start3A_38 = tpu.memref_squeeze %dma_start3A_37 : memref<1x32x1024xf32, #tpu.memory_space<vmem>> -> memref<32x1024xf32, #tpu.memory_space<vmem>>
    %dma_start3A_39 = arith.constant 0 : i32
    %dma_start3A_40 = tpu.memref_slice %arg5[%dma_start3A_39] : memref<512xi32, #tpu.memory_space<vmem>> -> memref<32xi32, #tpu.memory_space<vmem>>
    %dma_start3A_41 = arith.constant 0 : i32
    %dma_start3A_42 = arith.constant 0 : i32
    %dma_start3A_43 = tpu.memref_slice %arg3[%dma_start3A_41, %dma_start3A_42] : memref<8192x1024xf32, #tpu.memory_space<hbm>> -> memref<8192x1024xf32, #tpu.memory_space<hbm>>
    tpu.enqueue_indirect_dma source(%dma_start3A_43 : memref<8192x1024xf32, #tpu.memory_space<hbm>>) target(%dma_start3A_38 : memref<32x1024xf32, #tpu.memory_space<vmem>>) offsets(%dma_start3A_40 : memref<32xi32, #tpu.memory_space<vmem>>) semaphore(%arg7 : memref<!tpu.dma_semaphore, #tpu.memory_space<semaphore_mem>>)
    %dma_start3A_44 = arith.constant 1 : i32
    %dma_start3A_45 = arith.constant 0 : i32
    %dma_start3A_46 = arith.constant 0 : i32
    %dma_start3A_47 = tpu.memref_slice %arg6[%dma_start3A_44, %dma_start3A_45, %dma_start3A_46] : memref<2x32x1024xf32, #tpu.memory_space<vmem>> -> memref<1x32x1024xf32, #tpu.memory_space<vmem>>
    %dma_start3A_48 = tpu.memref_squeeze %dma_start3A_47 : memref<1x32x1024xf32, #tpu.memory_space<vmem>> -> memref<32x1024xf32, #tpu.memory_space<vmem>>
    %dma_start3A_49 = arith.constant 32 : i32
    %dma_start3A_50 = tpu.memref_slice %arg5[%dma_start3A_49] : memref<512xi32, #tpu.memory_space<vmem>> -> memref<32xi32, #tpu.memory_space<vmem>>
    %dma_start3A_51 = arith.constant 0 : i32
    %dma_start3A_52 = arith.constant 0 : i32
    %dma_start3A_53 = tpu.memref_slice %arg3[%dma_start3A_51, %dma_start3A_52] : memref<8192x1024xf32, #tpu.memory_space<hbm>> -> memref<8192x1024xf32, #tpu.memory_space<hbm>>
    tpu.enqueue_indirect_dma source(%dma_start3A_53 : memref<8192x1024xf32, #tpu.memory_space<hbm>>) target(%dma_start3A_48 : memref<32x1024xf32, #tpu.memory_space<vmem>>) offsets(%dma_start3A_50 : memref<32xi32, #tpu.memory_space<vmem>>) semaphore(%arg7 : memref<!tpu.dma_semaphore, #tpu.memory_space<semaphore_mem>>)
    %dma_wait3A = arith.constant 0 : i32
    %dma_wait3A_54 = arith.constant 0 : i32
    %dma_wait3A_55 = arith.constant 0 : i32
    %dma_wait3A_56 = tpu.memref_slice %arg6[%dma_wait3A, %dma_wait3A_54, %dma_wait3A_55] : memref<2x32x1024xf32, #tpu.memory_space<vmem>> -> memref<1x32x1024xf32, #tpu.memory_space<vmem>>
    %dma_wait3A_57 = tpu.memref_squeeze %dma_wait3A_56 : memref<1x32x1024xf32, #tpu.memory_space<vmem>> -> memref<32x1024xf32, #tpu.memory_space<vmem>>
    %dma_wait3A_58 = arith.constant 0 : i32
    %dma_wait3A_59 = arith.constant 0 : i32
    %dma_wait3A_60 = tpu.memref_slice %arg3[%dma_wait3A_58, %dma_wait3A_59] : memref<8192x1024xf32, #tpu.memory_space<hbm>> -> memref<32x1024xf32, #tpu.memory_space<hbm>>
    %dma_wait3A_61 = arith.constant 0 : i32
    %dma_wait3A_62 = arith.constant 0 : i32
    %dma_wait3A_63 = tpu.memref_slice %arg6[%dma_wait3A, %dma_wait3A_61, %dma_wait3A_62] : memref<2x32x1024xf32, #tpu.memory_space<vmem>> -> memref<1x32x1024xf32, #tpu.memory_space<vmem>>
    %dma_wait3A_64 = tpu.memref_squeeze %dma_wait3A_63 : memref<1x32x1024xf32, #tpu.memory_space<vmem>> -> memref<32x1024xf32, #tpu.memory_space<vmem>>
    %dma_wait3A_65 = arith.constant 0 : i32
    %dma_wait3A_66 = arith.constant 0 : i32
    %dma_wait3A_67 = tpu.memref_slice %arg3[%dma_wait3A_65, %dma_wait3A_66] : memref<8192x1024xf32, #tpu.memory_space<hbm>> -> memref<32x1024xf32, #tpu.memory_space<hbm>>
    tpu.wait_dma2 semaphore(%arg7 : memref<!tpu.dma_semaphore, #tpu.memory_space<semaphore_mem>>) src(%dma_wait3A_67 : memref<32x1024xf32, #tpu.memory_space<hbm>>) dst(%dma_wait3A_64 : memref<32x1024xf32, #tpu.memory_space<vmem>>)
    %add3A_68 = arith.constant 0 : i32
    %add3A_69 = arith.addi %mul3A_2, %add3A_68 : i32
    %dma_start3A_70 = arith.constant 0 : i32
    %dma_start3A_71 = arith.constant 0 : i32
    %dma_start3A_72 = arith.constant 0 : i32
    %dma_start3A_73 = tpu.memref_slice %arg6[%dma_start3A_70, %dma_start3A_71, %dma_start3A_72] : memref<2x32x1024xf32, #tpu.memory_space<vmem>> -> memref<1x32x1024xf32, #tpu.memory_space<vmem>>
    %dma_start3A_74 = tpu.memref_squeeze %dma_start3A_73 : memref<1x32x1024xf32, #tpu.memory_space<vmem>> -> memref<32x1024xf32, #tpu.memory_space<vmem>>
    %dma_start3A_75 = arith.constant 0 : i32
    %dma_start3A_76 = tpu.memref_slice %arg4[%add3A_69, %dma_start3A_75] : memref<16384x1024xf32, #tpu.memory_space<hbm>> -> memref<32x1024xf32, #tpu.memory_space<hbm>>
    %dma_start3A_77 = arith.constant 0 : i32
    %dma_start3A_78 = tpu.memref_slice %arg4[%add3A_69, %dma_start3A_77] : memref<16384x1024xf32, #tpu.memory_space<hbm>> -> memref<32x1024xf32, #tpu.memory_space<hbm>>
    %dma_start3A_79 = arith.constant 0 : i32
    %dma_start3A_80 = arith.constant 0 : i32
    %dma_start3A_81 = tpu.memref_slice %arg6[%dma_start3A_70, %dma_start3A_79, %dma_start3A_80] : memref<2x32x1024xf32, #tpu.memory_space<vmem>> -> memref<1x32x1024xf32, #tpu.memory_space<vmem>>
    %dma_start3A_82 = tpu.memref_squeeze %dma_start3A_81 : memref<1x32x1024xf32, #tpu.memory_space<vmem>> -> memref<32x1024xf32, #tpu.memory_space<vmem>>
    tpu.enqueue_dma source(%dma_start3A_82 : memref<32x1024xf32, #tpu.memory_space<vmem>>) target(%dma_start3A_78 : memref<32x1024xf32, #tpu.memory_space<hbm>>) target_semaphore(%arg8 : memref<!tpu.dma_semaphore, #tpu.memory_space<semaphore_mem>>)
    %scan3A = arith.constant 0 : i32
    %scan3A_83 = arith.constant 1 : i32
    %scan3A_84 = arith.constant 14 : i32
    %scan3A_85 = arith.addi %scan3A_83, %scan3A_84 : i32
    %scan3A_86 = arith.constant 1 : i32
    scf.for %scan3A_144 = %scan3A_83 to %scan3A_85 step %scan3A_86  : i32 {
      %dma_wait3A_145 = arith.constant 0 : i32
      %dma_wait3A_146 = arith.constant 0 : i32
      %dma_wait3A_147 = arith.constant 0 : i32
      %dma_wait3A_148 = tpu.memref_slice %arg6[%dma_wait3A_145, %dma_wait3A_146, %dma_wait3A_147] : memref<2x32x1024xf32, #tpu.memory_space<vmem>> -> memref<1x32x1024xf32, #tpu.memory_space<vmem>>
      %dma_wait3A_149 = tpu.memref_squeeze %dma_wait3A_148 : memref<1x32x1024xf32, #tpu.memory_space<vmem>> -> memref<32x1024xf32, #tpu.memory_space<vmem>>
      %dma_wait3A_150 = arith.constant 0 : i32
      %dma_wait3A_151 = tpu.memref_slice %arg4[%mul3A_2, %dma_wait3A_150] : memref<16384x1024xf32, #tpu.memory_space<hbm>> -> memref<32x1024xf32, #tpu.memory_space<hbm>>
      %dma_wait3A_152 = arith.constant 0 : i32
      %dma_wait3A_153 = tpu.memref_slice %arg4[%mul3A_2, %dma_wait3A_152] : memref<16384x1024xf32, #tpu.memory_space<hbm>> -> memref<32x1024xf32, #tpu.memory_space<hbm>>
      %dma_wait3A_154 = arith.constant 0 : i32
      %dma_wait3A_155 = arith.constant 0 : i32
      %dma_wait3A_156 = tpu.memref_slice %arg6[%dma_wait3A_145, %dma_wait3A_154, %dma_wait3A_155] : memref<2x32x1024xf32, #tpu.memory_space<vmem>> -> memref<1x32x1024xf32, #tpu.memory_space<vmem>>
      %dma_wait3A_157 = tpu.memref_squeeze %dma_wait3A_156 : memref<1x32x1024xf32, #tpu.memory_space<vmem>> -> memref<32x1024xf32, #tpu.memory_space<vmem>>
      tpu.wait_dma2 semaphore(%arg8 : memref<!tpu.dma_semaphore, #tpu.memory_space<semaphore_mem>>) src(%dma_wait3A_157 : memref<32x1024xf32, #tpu.memory_space<vmem>>) dst(%dma_wait3A_153 : memref<32x1024xf32, #tpu.memory_space<hbm>>)
      %add3A_158 = arith.constant 2 : i32
      %add3A_159 = arith.addi %scan3A_144, %add3A_158 : i32
      %sub3A_160 = arith.constant 1 : i32
      %sub3A_161 = arith.subi %add3A_159, %sub3A_160 : i32
      %mul3A_162 = arith.constant 32 : i32
      %mul3A_163 = arith.muli %sub3A_161, %mul3A_162 : i32
      %jit3A_164 = arith.constant 2 : i32
      %eq3A_165 = arith.constant 0 : i32
      %eq3A_166 = arith.cmpi eq, %jit3A_164, %eq3A_165 : i32
      %jit3A_167 = arith.constant 1 : i32
      %select_n3A_168 = arith.select %eq3A_166, %jit3A_167, %jit3A_164 : i32
      %rem3A_169 = arith.remsi %sub3A_161, %select_n3A_168 : i32
      %ne3A_170 = arith.constant 0 : i32
      %ne3A_171 = arith.cmpi ne, %rem3A_169, %ne3A_170 : i32
      %lt3A_172 = arith.constant 0 : i32
      %lt3A_173 = arith.cmpi slt, %rem3A_169, %lt3A_172 : i32
      %lt3A_174 = arith.constant 0 : i32
      %lt3A_175 = arith.cmpi slt, %select_n3A_168, %lt3A_174 : i32
      %ne3A_176 = arith.xori %lt3A_173, %lt3A_175 : i1
      %and3A_177 = arith.andi %ne3A_176, %ne3A_171 : i1
      %add3A_178 = arith.addi %rem3A_169, %select_n3A_168 : i32
      %select_n3A_179 = arith.select %and3A_177, %add3A_178, %rem3A_169 : i32
      %dma_start3A_180 = arith.constant 0 : i32
      %dma_start3A_181 = arith.constant 0 : i32
      %dma_start3A_182 = tpu.memref_slice %arg6[%select_n3A_179, %dma_start3A_180, %dma_start3A_181] : memref<2x32x1024xf32, #tpu.memory_space<vmem>> -> memref<1x32x1024xf32, #tpu.memory_space<vmem>>
      %dma_start3A_183 = tpu.memref_squeeze %dma_start3A_182 : memref<1x32x1024xf32, #tpu.memory_space<vmem>> -> memref<32x1024xf32, #tpu.memory_space<vmem>>
      %dma_start3A_184 = tpu.memref_slice %arg5[%mul3A_163] : memref<512xi32, #tpu.memory_space<vmem>> -> memref<32xi32, #tpu.memory_space<vmem>>
      %dma_start3A_185 = arith.constant 0 : i32
      %dma_start3A_186 = arith.constant 0 : i32
      %dma_start3A_187 = tpu.memref_slice %arg3[%dma_start3A_185, %dma_start3A_186] : memref<8192x1024xf32, #tpu.memory_space<hbm>> -> memref<8192x1024xf32, #tpu.memory_space<hbm>>
      tpu.enqueue_indirect_dma source(%dma_start3A_187 : memref<8192x1024xf32, #tpu.memory_space<hbm>>) target(%dma_start3A_183 : memref<32x1024xf32, #tpu.memory_space<vmem>>) offsets(%dma_start3A_184 : memref<32xi32, #tpu.memory_space<vmem>>) semaphore(%arg7 : memref<!tpu.dma_semaphore, #tpu.memory_space<semaphore_mem>>)
      %dma_wait3A_188 = arith.constant 0 : i32
      %dma_wait3A_189 = arith.constant 0 : i32
      %dma_wait3A_190 = arith.constant 0 : i32
      %dma_wait3A_191 = tpu.memref_slice %arg6[%dma_wait3A_188, %dma_wait3A_189, %dma_wait3A_190] : memref<2x32x1024xf32, #tpu.memory_space<vmem>> -> memref<1x32x1024xf32, #tpu.memory_space<vmem>>
      %dma_wait3A_192 = tpu.memref_squeeze %dma_wait3A_191 : memref<1x32x1024xf32, #tpu.memory_space<vmem>> -> memref<32x1024xf32, #tpu.memory_space<vmem>>
      %dma_wait3A_193 = arith.constant 0 : i32
      %dma_wait3A_194 = arith.constant 0 : i32
      %dma_wait3A_195 = tpu.memref_slice %arg3[%dma_wait3A_193, %dma_wait3A_194] : memref<8192x1024xf32, #tpu.memory_space<hbm>> -> memref<32x1024xf32, #tpu.memory_space<hbm>>
      %dma_wait3A_196 = arith.constant 0 : i32
      %dma_wait3A_197 = arith.constant 0 : i32
      %dma_wait3A_198 = tpu.memref_slice %arg6[%dma_wait3A_188, %dma_wait3A_196, %dma_wait3A_197] : memref<2x32x1024xf32, #tpu.memory_space<vmem>> -> memref<1x32x1024xf32, #tpu.memory_space<vmem>>
      %dma_wait3A_199 = tpu.memref_squeeze %dma_wait3A_198 : memref<1x32x1024xf32, #tpu.memory_space<vmem>> -> memref<32x1024xf32, #tpu.memory_space<vmem>>
      %dma_wait3A_200 = arith.constant 0 : i32
      %dma_wait3A_201 = arith.constant 0 : i32
      %dma_wait3A_202 = tpu.memref_slice %arg3[%dma_wait3A_200, %dma_wait3A_201] : memref<8192x1024xf32, #tpu.memory_space<hbm>> -> memref<32x1024xf32, #tpu.memory_space<hbm>>
      tpu.wait_dma2 semaphore(%arg7 : memref<!tpu.dma_semaphore, #tpu.memory_space<semaphore_mem>>) src(%dma_wait3A_202 : memref<32x1024xf32, #tpu.memory_space<hbm>>) dst(%dma_wait3A_199 : memref<32x1024xf32, #tpu.memory_space<vmem>>)
      %jit3A_203 = arith.constant 2 : i32
      %eq3A_204 = arith.constant 0 : i32
      %eq3A_205 = arith.cmpi eq, %jit3A_203, %eq3A_204 : i32
      %jit3A_206 = arith.constant 1 : i32
      %select_n3A_207 = arith.select %eq3A_205, %jit3A_206, %jit3A_203 : i32
      %rem3A_208 = arith.remsi %scan3A_144, %select_n3A_207 : i32
      %ne3A_209 = arith.constant 0 : i32
      %ne3A_210 = arith.cmpi ne, %rem3A_208, %ne3A_209 : i32
      %lt3A_211 = arith.constant 0 : i32
      %lt3A_212 = arith.cmpi slt, %rem3A_208, %lt3A_211 : i32
      %lt3A_213 = arith.constant 0 : i32
      %lt3A_214 = arith.cmpi slt, %select_n3A_207, %lt3A_213 : i32
      %ne3A_215 = arith.xori %lt3A_212, %lt3A_214 : i1
      %and3A_216 = arith.andi %ne3A_215, %ne3A_210 : i1
      %add3A_217 = arith.addi %rem3A_208, %select_n3A_207 : i32
      %select_n3A_218 = arith.select %and3A_216, %add3A_217, %rem3A_208 : i32
      %mul3A_219 = arith.constant 32 : i32
      %mul3A_220 = arith.muli %scan3A_144, %mul3A_219 : i32
      %add3A_221 = arith.addi %mul3A_2, %mul3A_220 : i32
      %dma_start3A_222 = arith.constant 0 : i32
      %dma_start3A_223 = arith.constant 0 : i32
      %dma_start3A_224 = tpu.memref_slice %arg6[%select_n3A_218, %dma_start3A_222, %dma_start3A_223] : memref<2x32x1024xf32, #tpu.memory_space<vmem>> -> memref<1x32x1024xf32, #tpu.memory_space<vmem>>
      %dma_start3A_225 = tpu.memref_squeeze %dma_start3A_224 : memref<1x32x1024xf32, #tpu.memory_space<vmem>> -> memref<32x1024xf32, #tpu.memory_space<vmem>>
      %dma_start3A_226 = arith.constant 0 : i32
      %dma_start3A_227 = tpu.memref_slice %arg4[%add3A_221, %dma_start3A_226] : memref<16384x1024xf32, #tpu.memory_space<hbm>> -> memref<32x1024xf32, #tpu.memory_space<hbm>>
      %dma_start3A_228 = arith.constant 0 : i32
      %dma_start3A_229 = tpu.memref_slice %arg4[%add3A_221, %dma_start3A_228] : memref<16384x1024xf32, #tpu.memory_space<hbm>> -> memref<32x1024xf32, #tpu.memory_space<hbm>>
      %dma_start3A_230 = arith.constant 0 : i32
      %dma_start3A_231 = arith.constant 0 : i32
      %dma_start3A_232 = tpu.memref_slice %arg6[%select_n3A_218, %dma_start3A_230, %dma_start3A_231] : memref<2x32x1024xf32, #tpu.memory_space<vmem>> -> memref<1x32x1024xf32, #tpu.memory_space<vmem>>
      %dma_start3A_233 = tpu.memref_squeeze %dma_start3A_232 : memref<1x32x1024xf32, #tpu.memory_space<vmem>> -> memref<32x1024xf32, #tpu.memory_space<vmem>>
      tpu.enqueue_dma source(%dma_start3A_233 : memref<32x1024xf32, #tpu.memory_space<vmem>>) target(%dma_start3A_229 : memref<32x1024xf32, #tpu.memory_space<hbm>>) target_semaphore(%arg8 : memref<!tpu.dma_semaphore, #tpu.memory_space<semaphore_mem>>)
    }
    %scan3A_87 = arith.constant 14 : i32
    %dma_wait3A_88 = arith.constant 0 : i32
    %dma_wait3A_89 = arith.constant 0 : i32
    %dma_wait3A_90 = arith.constant 0 : i32
    %dma_wait3A_91 = tpu.memref_slice %arg6[%dma_wait3A_88, %dma_wait3A_89, %dma_wait3A_90] : memref<2x32x1024xf32, #tpu.memory_space<vmem>> -> memref<1x32x1024xf32, #tpu.memory_space<vmem>>
    %dma_wait3A_92 = tpu.memref_squeeze %dma_wait3A_91 : memref<1x32x1024xf32, #tpu.memory_space<vmem>> -> memref<32x1024xf32, #tpu.memory_space<vmem>>
    %dma_wait3A_93 = arith.constant 0 : i32
    %dma_wait3A_94 = arith.constant 0 : i32
    %dma_wait3A_95 = tpu.memref_slice %arg3[%dma_wait3A_93, %dma_wait3A_94] : memref<8192x1024xf32, #tpu.memory_space<hbm>> -> memref<32x1024xf32, #tpu.memory_space<hbm>>
    %dma_wait3A_96 = arith.constant 0 : i32
    %dma_wait3A_97 = arith.constant 0 : i32
    %dma_wait3A_98 = tpu.memref_slice %arg6[%dma_wait3A_88, %dma_wait3A_96, %dma_wait3A_97] : memref<2x32x1024xf32, #tpu.memory_space<vmem>> -> memref<1x32x1024xf32, #tpu.memory_space<vmem>>
    %dma_wait3A_99 = tpu.memref_squeeze %dma_wait3A_98 : memref<1x32x1024xf32, #tpu.memory_space<vmem>> -> memref<32x1024xf32, #tpu.memory_space<vmem>>
    %dma_wait3A_100 = arith.constant 0 : i32
    %dma_wait3A_101 = arith.constant 0 : i32
    %dma_wait3A_102 = tpu.memref_slice %arg3[%dma_wait3A_100, %dma_wait3A_101] : memref<8192x1024xf32, #tpu.memory_space<hbm>> -> memref<32x1024xf32, #tpu.memory_space<hbm>>
    tpu.wait_dma2 semaphore(%arg7 : memref<!tpu.dma_semaphore, #tpu.memory_space<semaphore_mem>>) src(%dma_wait3A_102 : memref<32x1024xf32, #tpu.memory_space<hbm>>) dst(%dma_wait3A_99 : memref<32x1024xf32, #tpu.memory_space<vmem>>)
    %add3A_103 = arith.constant 480 : i32
    %add3A_104 = arith.addi %mul3A_2, %add3A_103 : i32
    %dma_start3A_105 = arith.constant 1 : i32
    %dma_start3A_106 = arith.constant 0 : i32
    %dma_start3A_107 = arith.constant 0 : i32
    %dma_start3A_108 = tpu.memref_slice %arg6[%dma_start3A_105, %dma_start3A_106, %dma_start3A_107] : memref<2x32x1024xf32, #tpu.memory_space<vmem>> -> memref<1x32x1024xf32, #tpu.memory_space<vmem>>
    %dma_start3A_109 = tpu.memref_squeeze %dma_start3A_108 : memref<1x32x1024xf32, #tpu.memory_space<vmem>> -> memref<32x1024xf32, #tpu.memory_space<vmem>>
    %dma_start3A_110 = arith.constant 0 : i32
    %dma_start3A_111 = tpu.memref_slice %arg4[%add3A_104, %dma_start3A_110] : memref<16384x1024xf32, #tpu.memory_space<hbm>> -> memref<32x1024xf32, #tpu.memory_space<hbm>>
    %dma_start3A_112 = arith.constant 0 : i32
    %dma_start3A_113 = tpu.memref_slice %arg4[%add3A_104, %dma_start3A_112] : memref<16384x1024xf32, #tpu.memory_space<hbm>> -> memref<32x1024xf32, #tpu.memory_space<hbm>>
    %dma_start3A_114 = arith.constant 0 : i32
    %dma_start3A_115 = arith.constant 0 : i32
    %dma_start3A_116 = tpu.memref_slice %arg6[%dma_start3A_105, %dma_start3A_114, %dma_start3A_115] : memref<2x32x1024xf32, #tpu.memory_space<vmem>> -> memref<1x32x1024xf32, #tpu.memory_space<vmem>>
    %dma_start3A_117 = tpu.memref_squeeze %dma_start3A_116 : memref<1x32x1024xf32, #tpu.memory_space<vmem>> -> memref<32x1024xf32, #tpu.memory_space<vmem>>
    tpu.enqueue_dma source(%dma_start3A_117 : memref<32x1024xf32, #tpu.memory_space<vmem>>) target(%dma_start3A_113 : memref<32x1024xf32, #tpu.memory_space<hbm>>) target_semaphore(%arg8 : memref<!tpu.dma_semaphore, #tpu.memory_space<semaphore_mem>>)
    %dma_wait3A_118 = arith.constant 0 : i32
    %dma_wait3A_119 = arith.constant 0 : i32
    %dma_wait3A_120 = arith.constant 0 : i32
    %dma_wait3A_121 = tpu.memref_slice %arg6[%dma_wait3A_118, %dma_wait3A_119, %dma_wait3A_120] : memref<2x32x1024xf32, #tpu.memory_space<vmem>> -> memref<1x32x1024xf32, #tpu.memory_space<vmem>>
    %dma_wait3A_122 = tpu.memref_squeeze %dma_wait3A_121 : memref<1x32x1024xf32, #tpu.memory_space<vmem>> -> memref<32x1024xf32, #tpu.memory_space<vmem>>
    %dma_wait3A_123 = arith.constant 0 : i32
    %dma_wait3A_124 = tpu.memref_slice %arg4[%mul3A_2, %dma_wait3A_123] : memref<16384x1024xf32, #tpu.memory_space<hbm>> -> memref<32x1024xf32, #tpu.memory_space<hbm>>
    %dma_wait3A_125 = arith.constant 0 : i32
    %dma_wait3A_126 = tpu.memref_slice %arg4[%mul3A_2, %dma_wait3A_125] : memref<16384x1024xf32, #tpu.memory_space<hbm>> -> memref<32x1024xf32, #tpu.memory_space<hbm>>
    %dma_wait3A_127 = arith.constant 0 : i32
    %dma_wait3A_128 = arith.constant 0 : i32
    %dma_wait3A_129 = tpu.memref_slice %arg6[%dma_wait3A_118, %dma_wait3A_127, %dma_wait3A_128] : memref<2x32x1024xf32, #tpu.memory_space<vmem>> -> memref<1x32x1024xf32, #tpu.memory_space<vmem>>
    %dma_wait3A_130 = tpu.memref_squeeze %dma_wait3A_129 : memref<1x32x1024xf32, #tpu.memory_space<vmem>> -> memref<32x1024xf32, #tpu.memory_space<vmem>>
    tpu.wait_dma2 semaphore(%arg8 : memref<!tpu.dma_semaphore, #tpu.memory_space<semaphore_mem>>) src(%dma_wait3A_130 : memref<32x1024xf32, #tpu.memory_space<vmem>>) dst(%dma_wait3A_126 : memref<32x1024xf32, #tpu.memory_space<hbm>>)
    %dma_wait3A_131 = arith.constant 0 : i32
    %dma_wait3A_132 = arith.constant 0 : i32
    %dma_wait3A_133 = arith.constant 0 : i32
    %dma_wait3A_134 = tpu.memref_slice %arg6[%dma_wait3A_131, %dma_wait3A_132, %dma_wait3A_133] : memref<2x32x1024xf32, #tpu.memory_space<vmem>> -> memref<1x32x1024xf32, #tpu.memory_space<vmem>>
    %dma_wait3A_135 = tpu.memref_squeeze %dma_wait3A_134 : memref<1x32x1024xf32, #tpu.memory_space<vmem>> -> memref<32x1024xf32, #tpu.memory_space<vmem>>
    %dma_wait3A_136 = arith.constant 0 : i32
    %dma_wait3A_137 = tpu.memref_slice %arg4[%mul3A_2, %dma_wait3A_136] : memref<16384x1024xf32, #tpu.memory_space<hbm>> -> memref<32x1024xf32, #tpu.memory_space<hbm>>
    %dma_wait3A_138 = arith.constant 0 : i32
    %dma_wait3A_139 = tpu.memref_slice %arg4[%mul3A_2, %dma_wait3A_138] : memref<16384x1024xf32, #tpu.memory_space<hbm>> -> memref<32x1024xf32, #tpu.memory_space<hbm>>
    %dma_wait3A_140 = arith.constant 0 : i32
    %dma_wait3A_141 = arith.constant 0 : i32
    %dma_wait3A_142 = tpu.memref_slice %arg6[%dma_wait3A_131, %dma_wait3A_140, %dma_wait3A_141] : memref<2x32x1024xf32, #tpu.memory_space<vmem>> -> memref<1x32x1024xf32, #tpu.memory_space<vmem>>
    %dma_wait3A_143 = tpu.memref_squeeze %dma_wait3A_142 : memref<1x32x1024xf32, #tpu.memory_space<vmem>> -> memref<32x1024xf32, #tpu.memory_space<vmem>>
    tpu.wait_dma2 semaphore(%arg8 : memref<!tpu.dma_semaphore, #tpu.memory_space<semaphore_mem>>) src(%dma_wait3A_143 : memref<32x1024xf32, #tpu.memory_space<vmem>>) dst(%dma_wait3A_139 : memref<32x1024xf32, #tpu.memory_space<hbm>>)
    return
  }
}

</mosaic_0001>

<sc_bundles>
// kernel: _run.3.cloned.1.call-start
scs
__scs_entry_jumppad:
0x0: {  	(pc) =	sbr.rel $0x88, $3  }
0x1: {  	(tag) =	ssettag $0x0;
	lr =	simm.s32 $0x1  }
0x2: {  	[smem:$0x3F9F] =	sst lr;
	_ =	strace $0xD0000000  }
0x3: {  	_ = 	snop  }
0x4: {  	_ = 	snop  }
0x5: {  	_ = 	snop  }
0x6: {  	_ = 	snop  }
0x7: {  	_ = 	snop  }
__scs_overlays_trampoline_lowered:
0x8: {  	[smem:$0x3FAE] =	sst s0  }
0x9: {  	[smem:$0x3FAF] =	sst s1  }
0xa: {  	[smem:$0x3FB0] =	sst s2  }
0xb: {  	[smem:$0x3FB1] =	sst s3  }
0xc: {  	[smem:$0x3FB2] =	sst s4  }
0xd: {  	[smem:$0x3FB3] =	sst s5  }
0xe: {  	[smem:$0x3FB4] =	sst s6  }
0xf: {  	[smem:$0x3FB5] =	sst s7  }
0x10: {  	[smem:$0x3FB6] =	sst s8  }
0x11: {  	[smem:$0x3FB7] =	sst s9;
	s0 =	simm.s32 @!p0 $0x0  }
0x12: {  	s1 =	sld [smem:$0x3F9D];
	s0 =	simm.s32 @p0 $0x1  }
0x13: {  	[smem:$0x3FB8] =	sst s0;
	s0 =	simm.s32 @!p1 $0x0  }
0x14: {  	s2 =	sld [smem:$0x3F9C];
	s0 =	simm.s32 @p1 $0x1  }
0x15: {  	[smem:$0x3FB9] =	sst s0;
	s0 =	simm.s32 @!p2 $0x0  }
0x16: {  	s3 =	sld [smem:$0x3FDB];
	s0 =	simm.s32 @p2 $0x1  }
0x17: {  	s4 =	simm.s32 $0x1BF5;
	[smem:$0x3FBB] =	sst s0  }
0x18: {  	s0 =	sld [smem:$0x3F9E];
	_ =	swait.ge [sflag:s4], $0x0  }
0x19: {  	s7 =	sld [smem:$0x3F9F]  }
0x1a: {  	s8 =	sadd.s32 $0xFFFFE003, lr  }
0x1b: {  	s9 =	sadd.s32 $0xFFFFFEF7, lr;
	s5 =	simm.s32 $0xFFFFFFFF;
	p2 =	slt.u32 s8, $0xFFFFF086  }
0x1c: {  	p1 =	slt.u32 s9, $0xF7A;
	s5 =	simm.s32 @!p2 $0x0  }
0x1d: {  	s5 =	simm.s32 @p1 $0x1;
	p0 =	seq.s32 s7, s2  }
0x1e: {  	s7 =	smul.u32 @!p0 $0xF7A, s2;
	p2 =	seq.s32 @!p0 s5, $0x0  }
0x1f: {  	s9 =	smul.u32 $0xF7A, s1;
	s8 =	simm.s32 @!p0 $0x1BF5;
	p2 =	por !p2, p0  }
0x20: {  	[sflag:s8] =	ssyncset.s32 @!p0 $0xFFFFF086;
	s6 =	sadd.s32 @!p0 s3, s7;
	s7 =	simm.s32 @!p0 $0x108  }
0x21: {  	s3 =	sadd.s32 s3, s9;
	s6 =	sadd.s32 @!p0 $0x88, s6;
	s7 =	simm.s32 @p2 $0x1082  }
0x22: {  	[simem:s7], [sflag:s8] =	dma.local @!p0 [hbm:s6], $0xF7A  }
0x23: {  	s9 =	sor.u32 $0xD0000000, s2;
	s6 =	simm.s32 $0x108;
	_ =	swait.ge @!p0 [sflag:s8], $0x0  }
0x24: {  	s3 =	sadd.s32 $0x88, s3;
	s6 =	simm.s32 @!p1 $0x1082;
	[sflag:s4] =	ssyncset.s32 $0xFFFFF086  }
0x25: {  	[simem:s6], [sflag:s4] =	dma.local [hbm:s3], $0xF7A  }
0x26: {  	[smem:$0x3F9F] =	sst s1;
	(tag) =	ssettag s2;
	_ =	strace s9  }
0x27: {  	s1 =	sld [smem:$0x3FAF]  }
0x28: {  	s2 =	sld [smem:$0x3FB0]  }
0x29: {  	s4 =	sld [smem:$0x3FB2]  }
0x2a: {  	p0 =	seq.s32 s5, $0x0;
	s5 =	sld [smem:$0x3FB3]  }
0x2b: {  	s6 =	sld [smem:$0x3FB4]  }
0x2c: {  	s7 =	sld [smem:$0x3FB5]  }
0x2d: {  	s3 =	simm.s32 $0x108;
	s8 =	sld [smem:$0x3FB6]  }
0x2e: {  	s3 =	simm.s32 @!p0 $0x1082;
	s9 =	sld [smem:$0x3FB7]  }
0x2f: {  	lr =	sadd.s32 s0, s3;
	s0 =	sld [smem:$0x3FAE]  }
0x30: {  	s3 =	sld [smem:$0x3FB1]  }
0x31: {  	[smem:$0x3FBA] =	sst s10  }
0x32: {  	s10 =	sld [smem:$0x3FB8];
	_ =	sdelay $0x3  }
0x33: {  	p0 =	seq.s32 s10, $0x1;
	s10 =	sld [smem:$0x3FBA];
	_ =	sdelay $0x3  }
0x34: {  	[smem:$0x3FBA] =	sst s10  }
0x35: {  	s10 =	sld [smem:$0x3FB9];
	_ =	sdelay $0x3  }
0x36: {  	p1 =	seq.s32 s10, $0x1;
	s10 =	sld [smem:$0x3FBA];
	_ =	sdelay $0x3  }
0x37: {  	[smem:$0x3FBA] =	sst s10  }
0x38: {  	s10 =	sld [smem:$0x3FBB]  }
0x39: {  	_ = 	snop;
	(pc) =	sbr.ind lr, $3  }
0x3a: {  	_ = 	snop  }
0x3b: {  	_ = 	snop  }
0x3c: {  	p2 =	seq.s32 s10, $0x1;
	s10 =	sld [smem:$0x3FBA]  }
0x3d: {  	_ =	shalt  }
0x3e: {  	_ =	shalt  }
0x3f: {  	_ =	shalt  }
0x40: {  	_ =	shalt  }
0x41: {  	_ =	shalt  }
0x42: {  	_ =	shalt  }
0x43: {  	_ =	shalt  }
0x44: {  	_ =	shalt  }
0x45: {  	_ =	shalt  }
0x46: {  	_ =	shalt  }
0x47: {  	_ =	shalt  }
0x48: {  	_ =	shalt  }
0x49: {  	_ =	shalt  }
0x4a: {  	_ =	shalt  }
0x4b: {  	_ =	shalt  }
0x4c: {  	_ =	shalt  }
0x4d: {  	_ =	shalt  }
0x4e: {  	_ =	shalt  }
0x4f: {  	_ =	shalt  }
0x50: {  	_ =	shalt  }
0x51: {  	_ =	shalt  }
0x52: {  	_ =	shalt  }
0x53: {  	_ =	shalt  }
0x54: {  	_ =	shalt  }
0x55: {  	_ =	shalt  }
0x56: {  	_ =	shalt  }
0x57: {  	_ =	shalt  }
0x58: {  	_ =	shalt  }
0x59: {  	_ =	shalt  }
0x5a: {  	_ =	shalt  }
0x5b: {  	_ =	shalt  }
0x5c: {  	_ =	shalt  }
0x5d: {  	_ =	shalt  }
0x5e: {  	_ =	shalt  }
0x5f: {  	_ =	shalt  }
0x60: {  	_ =	shalt  }
0x61: {  	_ =	shalt  }
0x62: {  	_ =	shalt  }
0x63: {  	_ =	shalt  }
0x64: {  	_ =	shalt  }
0x65: {  	_ =	shalt  }
0x66: {  	_ =	shalt  }
0x67: {  	_ =	shalt  }
0x68: {  	_ =	shalt  }
0x69: {  	_ =	shalt  }
0x6a: {  	_ =	shalt  }
0x6b: {  	_ =	shalt  }
0x6c: {  	_ =	shalt  }
0x6d: {  	_ =	shalt  }
0x6e: {  	_ =	shalt  }
0x6f: {  	_ =	shalt  }
0x70: {  	_ =	shalt  }
0x71: {  	_ =	shalt  }
0x72: {  	_ =	shalt  }
0x73: {  	_ =	shalt  }
0x74: {  	_ =	shalt  }
0x75: {  	_ =	shalt  }
0x76: {  	_ =	shalt  }
0x77: {  	_ =	shalt  }
0x78: {  	_ =	shalt  }
0x79: {  	_ =	shalt  }
0x7a: {  	_ =	shalt  }
0x7b: {  	_ =	shalt  }
0x7c: {  	_ =	shalt  }
0x7d: {  	_ =	shalt  }
0x7e: {  	_ =	shalt  }
0x7f: {  	_ =	shalt  }
0x80: {  	_ =	shalt  }
0x81: {  	_ =	shalt  }
0x82: {  	_ =	shalt  }
0x83: {  	_ =	shalt  }
0x84: {  	_ =	shalt  }
0x85: {  	_ =	shalt  }
0x86: {  	_ =	shalt  }
0x87: {  	_ =	shalt  }
.Lfunc_end0:
.L_simem_size_0:
called_computation_lowered:
.L_overlay_start_0:
0x88: {  	s2 =	sld [smem:$0x3FD9]  }
0x89: {  	s3 =	sld [smem:$0x3FFE];
	_ =	sdelay $0x1  }
0x8a: {  	s1 =	srdreg.scid  }
0x8b: {  	s0 =	sand.u32 $0x1, s1  }
0x8c: {  	s18 =	sshll.u32 s0, $0xA;
	s2 =	sadd.s32 s3, s2  }
0x8d: {  	s2 =	sadd.s32 s2, s18  }
0x8e: {  	[smem:$0x3FC6] =	sst s2  }
0x8f: {  	_ = 	snop  }
0x90: {  	s2 =	sld [smem:$0x3FC9]  }
0x91: {  	s19 =	sld [smem:$0x3FC8]  }
0x92: {  	s4 =	sld [smem:$0x3FD0];
	(tm) =	ssettm $0x1  }
0x93: {  	s5 =	sld [smem:$0x3FFB];
	_ =	sdelay $0x3  }
0x94: {  	_ =	strace s5  }
0x95: {  	s5 =	sld [smem:$0x3FFC];
	_ =	sdelay $0x3  }
0x96: {  	_ =	strace s5  }
0x97: {  	s5 =	sld [smem:$0x3FFD];
	_ =	sdelay $0x3  }
0x98: {  	_ =	strace s5  }
0x99: {  	_ =	strace $0x8FFFFFFF  }
0x9a: {  	s20 =	sld [smem:$0x3FDB];
	_ =	sdelay $0x1  }
0x9b: {  	s6 =	simm.s32 $_scs_section_size  }
0x9c: {  	s7 =	simm.s32 $_size__tile_overlayer_lowered;
	s8 =	simm.s32 $_tile_overlayer_lowered  }
0x9d: {  	s23 =	simm.s32 $0x1BFF;
	s22 =	sshll.u32 s8, $0x1;
	s5 =	sadd.s32 s6, s20  }
0x9e: {  	s9 =	simm.s32 $0x0;
	s21 =	sshll.u32 s7, $0x1;
	s7 =	sadd.s32 s22, s5  }
0x9f: {  	[timem:s9], [sflag:s23] =	dma.local [hbm:s7], s21  }
0xa0: {  	_ =	swait.ge [sflag:s23], s21  }
0xa1: {  	s6 =	ssub.s32 $0x0, s21;
	[sflag:s23] =	ssyncset.done $0x0  }
0xa2: {  	[sflag:s23] =	ssyncadd.s32 s6;
	_ =	sdelay $0x1  }
0xa3: {  	s24 =	simm.s32 $0x1B8B  }
0xa4: {  	_ =	swait.ge [sflag:s24], $0x1  }
0xa5: {  	[sflag:s24] =	ssyncset.done $0x0  }
0xa6: {  	s25 =	simm.s32 $0x1B8E;
	[sflag:s24] =	ssyncadd.s32 $0xFFFFFFFF  }
0xa7: {  	s26 =	simm.s32 $execute0_lowered;
	[smem:$0x3FD2] =	sst s25  }
0xa8: {  	s6 =	sshll.u32 s26, $0x1;
	_ =	strace $0x80000046;
	[dreg:$0x1] =	wrdreg $0xFFFFFFFF  }
0xa9: {  	s28 =	simm.s32 $_size_execute0_lowered;
	s5 =	sadd.s32 s5, s6;
	[dreg:$0x0] =	wrdreg $0x0  }
0xaa: {  	s6 =	sshll.u32 s28, $0x1;
	[dreg:$0x2] =	wrdreg s5  }
0xab: {  	[dreg:$0x3] =	wrdreg s6  }
0xac: {  	[dreg:$0x4] =	wrdreg $0xC0  }
0xad: {  	_ =	task [dreg:s9], $0x5FFFF  }
0xae: {  	[dreg:$0x1] =	wrdreg $0xFFFFFFFF  }
0xaf: {  	[dreg:$0x0] =	wrdreg $0x60  }
0xb0: {  	[dreg:$0x2] =	wrdreg s2  }
0xb1: {  	[dreg:$0x3] =	wrdreg s19  }
0xb2: {  	[dreg:$0x4] =	wrdreg s4  }
0xb3: {  	[dreg:$0x5] =	wrdreg $0x9  }
0xb4: {  	_ =	task.clear_ibuf [dreg:s9], $0x6FFFF;
	_ =	strace $0x90000046  }
0xb5: {  	s29 =	simm.s32 $0x9;
	_ =	strace $0x80000048  }
0xb6: {  	_ =	swait.ge [sflag:s29], $0x1  }
0xb7: {  	[sflag:s29] =	ssyncadd.s32 $0xFFFFFFFF  }
0xb8: {  	_ =	strace $0x90000048  }
0xb9: {  	_ =	sfence  }
0xba: {  	s30 =	sld [smem:$0x0];
	_ =	sdelay $0x2  }
0xbb: {  	s31 =	sshll.u32 s1, $0xD;
	s1 =	sshrl.u32 s1, $0x2  }
0xbc: {  	s3 =	sand.u32 $0x4000, s31;
	s1 =	sadd.s32 s1, s30  }
0xbd: {  	s0 =	sor.u32 s3, s0;
	s1 =	sshll.u32 s1, $0x11  }
0xbe: {  	s0 =	sor.u32 s1, s0  }
0xbf: {  	s0 =	sadd.s32 $0x8F2B, s0  }
0xc0: {  	[sflag:s0] =	ssyncadd.remote.s32 $0x1  }
0xc1: {  	_ =	sfence.sel $0xFFFF  }
0xc2: {  	[dreg:$0x0] =	wrdreg $0xFFFFFFFF;
	(pc) =	sbr.abs _section_cstart, $3  }
0xc3: {  	[dreg:$0x1] =	wrdreg $0xFFFFFFFF  }
0xc4: {  	_ =	task.clear_ibuf [dreg:s9], $0x2FFFF;
	_ =	strace $0x9FFFFFFF  }
0xc5: {  	(tm) =	ssettm $0x7FFFFFFF  }
tec
execute0_lowered:
.L_overlay_start_1:
0x0: {  	(tag) =	ssettag $0x1  }
0x1: {  	s0 =	rddreg [dreg:$0x0]  }
0x2: {  	s1 =	rddreg [dreg:$0x1]  }
0x3: {  	s2 =	rddreg [dreg:$0x2]  }
0x4: {  	s3 =	simm.s32 $0x0;
	s4 =	srdreg.scid;
	s11 =	stileid.u32  }
0x5: {  	s13 =	simm.s32 $0x200;
	s14 =	simm.s32 $0x3;
	s31 =	simm.s32 $0x8200  }
0x6: {  	s17 =	simm.s32 $0xB200;
	s18 =	simm.s32 $0xBA00;
	s19 =	simm.s32 $0xC200  }
0x7: {  	s20 =	simm.s32 $0xCA00;
	s21 =	simm.s32 $0xD200;
	s22 =	simm.s32 $0xDA00  }
0x8: {  	s28 =	simm.s32 $0x1;
	s29 =	simm.s32 $0x2;
	s30 =	simm.s32 $0x0  }
0x9: {  	[smem:$0x7FF] =	sst s3;
	s8 =	sand.u32 $0x1, s4;
	s23 =	sshll.u32 s11, $0x1  }
0xa: {  	s5 =	sshll.u32 s11, $0x2;
	s25 =	sshll.u32 s11, $0x11;
	_ =	strace $0x80000047  }
0xb: {  	s4 =	sor.u32 s8, s23;
	s6 =	ssub.s32 $0x2, s8;
	s5 =	sand.u32 $0x30, s5  }
0xc: {  	s26 =	sshll.u32 s8, $0x10;
	s8 =	sadd.s32 $0x300, s1;
	s23 =	simm.s32 $0xE200  }
0xd: {  	s7 =	sshll.u32 s4, $0x8;
	s9 =	sshrl.u32 s6, $0x1;
	s0 =	sadd.s32 s0, s5  }
0xe: {  	s24 =	sshll.u32 s4, $0x10;
	s5 =	sadd.s32 $0x100, s1;
	s7 =	sand.u32 $0x700, s7  }
0xf: {  	s10 =	ssub.s32 s6, s9;
	s6 =	sadd.s32 $0x200, s1;
	s4 =	sadd.s32 s7, s0  }
0x10: {  	v2 =	vlaneseq.u32;
	s7 =	sadd.s32 s2, s24;
	s0 =	sadd.s32 s25, s2;
	s10 =	smax.u32 s10, $0x1  }
0x11: {  	vm0 =	vmmov $0xffff;
	v1 =	vshrl.u32 v2, $0x3;
	s24 =	simm.s32 $0xEA00;
	s25 =	simm.s32 $0xF200;
	s0 =	sadd.s32 s26, s0  }
0x12: {  	v0 =	vand.u32 $0x7, v2;
	v2 =	vor.u32 $0x8, v2;
	v1 =	vmul.u32 $0x8, v1;
	s9 =	sadd.s32 $0xF000, s7;
	s26 =	simm.s32 $0xFA00;
	s12 =	sadd.s32 $0x1000, s0  }
.LBB2_1:
0x13: {  	s0 =	simm.s32 $0x80  }
0x14: {  	[tilespmem:s3], [sflag:$0x3] =	stream.strided.gather [hbm4b:s4+s0], $0x200, s13, s0, $0x38;
	[tilespmem:$0x10200] =	vst v63  }
0x15: {  	_ =	swait.ge [sflag:s14], $0x200  }
0x16: {  	[sflag:s14] =	ssyncset.done $0x0  }
0x17: {  	[sflag:s14] =	ssyncadd.s32 $0xFFFFFE00  }
0x18: {  	v3 =	vld [tilespmem:$0x0];
	_ =	sdelay $0x4  }
0x19: {  	v4 =	vshll.u32 v3, $0x3  }
0x1a: {  	v3 =	vand.u32 $0x7, v3;
	v4 =	vand.u32 $0xFFFFFFC0, v4  }
0x1b: {  	v3 =	vor.u32 v3, v4  }
0x1c: {  	v4 =	vperm.xlane v3, v0;
	_ =	sdelay $0x1  }
0x1d: {  	v4 =	vadd.s32 v1, v4;
	_ =	sdelay $0x4  }
0x1e: {  	[tilespmem:s13], [sflag:$0x1] =	stream.indirect_vreg.gather [hbm4b:s1+s3], $0x80, v4, vm0, $0xb8;
	[tilespmem:$0x10200] =	vst v63  }
0x1f: {  	s2 =	simm.s32 $0xA00;
	v3 =	vperm.xlane v3, v2  }
0x20: {  	[tilespmem:s2], [sflag:$0x1] =	stream.indirect_vreg.gather [hbm4b:s5+s3], $0x80, v4, vm0, $0xb8;
	[tilespmem:$0x10200] =	vst v63  }
0x21: {  	s11 =	simm.s32 $0x1200;
	v3 =	vadd.s32 v1, v3  }
0x22: {  	[tilespmem:s11], [sflag:$0x1] =	stream.indirect_vreg.gather [hbm4b:s6+s3], $0x80, v4, vm0, $0xb8;
	[tilespmem:$0x10200] =	vst v63  }
0x23: {  	s15 =	simm.s32 $0x1A00  }
0x24: {  	[tilespmem:s15], [sflag:$0x1] =	stream.indirect_vreg.gather [hbm4b:s8+s3], $0x80, v4, vm0, $0xb8;
	[tilespmem:$0x10200] =	vst v63  }
0x25: {  	s16 =	simm.s32 $0x2200  }
0x26: {  	[tilespmem:s16], [sflag:$0x1] =	stream.indirect_vreg.gather [hbm4b:s1+s3], $0x80, v3, vm0, $0xb8;
	[tilespmem:$0x10200] =	vst v63  }
0x27: {  	s2 =	simm.s32 $0x2A00  }
0x28: {  	[tilespmem:s2], [sflag:$0x1] =	stream.indirect_vreg.gather [hbm4b:s5+s3], $0x80, v3, vm0, $0xb8;
	[tilespmem:$0x10200] =	vst v63  }
0x29: {  	s11 =	simm.s32 $0x3200  }
0x2a: {  	[tilespmem:s11], [sflag:$0x1] =	stream.indirect_vreg.gather [hbm4b:s6+s3], $0x80, v3, vm0, $0xb8;
	[tilespmem:$0x10200] =	vst v63  }
0x2b: {  	s15 =	simm.s32 $0x3A00  }
0x2c: {  	[tilespmem:s15], [sflag:$0x1] =	stream.indirect_vreg.gather [hbm4b:s8+s3], $0x80, v3, vm0, $0xb8;
	[tilespmem:$0x10200] =	vst v63  }
0x2d: {  	v3 =	vld [tilespmem:$0x10];
	_ =	sdelay $0x4  }
0x2e: {  	v61 =	vshll.u32 v3, $0x3  }
0x2f: {  	v3 =	vand.u32 $0x7, v3;
	v4 =	vand.u32 $0xFFFFFFC0, v61  }
0x30: {  	v3 =	vor.u32 v3, v4  }
0x31: {  	v4 =	vperm.xlane v3, v0;
	_ =	sdelay $0x1  }
0x32: {  	v4 =	vadd.s32 v1, v4;
	_ =	sdelay $0x3  }
0x33: {  	s16 =	simm.s32 $0x4200  }
0x34: {  	[tilespmem:s16], [sflag:$0x1] =	stream.indirect_vreg.gather [hbm4b:s1+s3], $0x80, v4, vm0, $0xb8;
	[tilespmem:$0x10200] =	vst v63  }
0x35: {  	s2 =	simm.s32 $0x4A00;
	v3 =	vperm.xlane v3, v2  }
0x36: {  	[tilespmem:s2], [sflag:$0x1] =	stream.indirect_vreg.gather [hbm4b:s5+s3], $0x80, v4, vm0, $0xb8;
	[tilespmem:$0x10200] =	vst v63  }
0x37: {  	s11 =	simm.s32 $0x5200;
	v3 =	vadd.s32 v1, v3  }
0x38: {  	[tilespmem:s11], [sflag:$0x1] =	stream.indirect_vreg.gather [hbm4b:s6+s3], $0x80, v4, vm0, $0xb8;
	[tilespmem:$0x10200] =	vst v63  }
0x39: {  	s15 =	simm.s32 $0x5A00  }
0x3a: {  	[tilespmem:s15], [sflag:$0x1] =	stream.indirect_vreg.gather [hbm4b:s8+s3], $0x80, v4, vm0, $0xb8;
	[tilespmem:$0x10200] =	vst v63  }
0x3b: {  	s16 =	simm.s32 $0x6200  }
0x3c: {  	[tilespmem:s16], [sflag:$0x1] =	stream.indirect_vreg.gather [hbm4b:s1+s3], $0x80, v3, vm0, $0xb8;
	[tilespmem:$0x10200] =	vst v63  }
0x3d: {  	s2 =	simm.s32 $0x6A00  }
0x3e: {  	[tilespmem:s2], [sflag:$0x1] =	stream.indirect_vreg.gather [hbm4b:s5+s3], $0x80, v3, vm0, $0xb8;
	[tilespmem:$0x10200] =	vst v63  }
0x3f: {  	s11 =	simm.s32 $0x7200  }
0x40: {  	[tilespmem:s11], [sflag:$0x1] =	stream.indirect_vreg.gather [hbm4b:s6+s3], $0x80, v3, vm0, $0xb8;
	[tilespmem:$0x10200] =	vst v63  }
0x41: {  	s15 =	simm.s32 $0x7A00  }
0x42: {  	[tilespmem:s15], [sflag:$0x1] =	stream.indirect_vreg.gather [hbm4b:s8+s3], $0x80, v3, vm0, $0xb8;
	[tilespmem:$0x10200] =	vst v63  }
0x43: {  	v3 =	vld [tilespmem:$0x20];
	_ =	sdelay $0x4  }
0x44: {  	v62 =	vshll.u32 v3, $0x3  }
0x45: {  	v3 =	vand.u32 $0x7, v3;
	v4 =	vand.u32 $0xFFFFFFC0, v62  }
0x46: {  	v3 =	vor.u32 v3, v4  }
0x47: {  	v4 =	vperm.xlane v3, v0;
	_ =	sdelay $0x1  }
0x48: {  	v4 =	vadd.s32 v1, v4;
	_ =	sdelay $0x4  }
0x49: {  	[tilespmem:s31], [sflag:$0x1] =	stream.indirect_vreg.gather [hbm4b:s1+s3], $0x80, v4, vm0, $0xb8;
	[tilespmem:$0x10200] =	vst v63  }
0x4a: {  	s16 =	simm.s32 $0x8A00;
	v3 =	vperm.xlane v3, v2  }
0x4b: {  	[tilespmem:s16], [sflag:$0x1] =	stream.indirect_vreg.gather [hbm4b:s5+s3], $0x80, v4, vm0, $0xb8;
	[tilespmem:$0x10200] =	vst v63  }
0x4c: {  	s2 =	simm.s32 $0x9200;
	v3 =	vadd.s32 v1, v3  }
0x4d: {  	[tilespmem:s2], [sflag:$0x1] =	stream.indirect_vreg.gather [hbm4b:s6+s3], $0x80, v4, vm0, $0xb8;
	[tilespmem:$0x10200] =	vst v63  }
0x4e: {  	s11 =	simm.s32 $0x9A00  }
0x4f: {  	[tilespmem:s11], [sflag:$0x1] =	stream.indirect_vreg.gather [hbm4b:s8+s3], $0x80, v4, vm0, $0xb8;
	[tilespmem:$0x10200] =	vst v63  }
0x50: {  	s15 =	simm.s32 $0xA200  }
0x51: {  	[tilespmem:s15], [sflag:$0x1] =	stream.indirect_vreg.gather [hbm4b:s1+s3], $0x80, v3, vm0, $0xb8;
	[tilespmem:$0x10200] =	vst v63  }
0x52: {  	s16 =	simm.s32 $0xAA00  }
0x53: {  	[tilespmem:s16], [sflag:$0x1] =	stream.indirect_vreg.gather [hbm4b:s5+s3], $0x80, v3, vm0, $0xb8;
	[tilespmem:$0x10200] =	vst v63  }
0x54: {  	_ = 	snop  }
0x55: {  	[tilespmem:s17], [sflag:$0x1] =	stream.indirect_vreg.gather [hbm4b:s6+s3], $0x80, v3, vm0, $0xb8;
	[tilespmem:$0x10200] =	vst v63  }
0x56: {  	_ = 	snop  }
0x57: {  	[tilespmem:s18], [sflag:$0x1] =	stream.indirect_vreg.gather [hbm4b:s8+s3], $0x80, v3, vm0, $0xb8;
	[tilespmem:$0x10200] =	vst v63  }
0x58: {  	v3 =	vld [tilespmem:$0x30];
	_ =	sdelay $0x4  }
0x59: {  	v63 =	vshll.u32 v3, $0x3  }
0x5a: {  	v3 =	vand.u32 $0x7, v3;
	v4 =	vand.u32 $0xFFFFFFC0, v63  }
0x5b: {  	v3 =	vor.u32 v3, v4  }
0x5c: {  	v4 =	vperm.xlane v3, v0;
	_ =	sdelay $0x1  }
0x5d: {  	v4 =	vadd.s32 v1, v4;
	_ =	sdelay $0x4  }
0x5e: {  	[tilespmem:s19], [sflag:$0x1] =	stream.indirect_vreg.gather [hbm4b:s1+s3], $0x80, v4, vm0, $0xb8;
	[tilespmem:$0x10200] =	vst v63  }
0x5f: {  	v3 =	vperm.xlane v3, v2  }
0x60: {  	[tilespmem:s20], [sflag:$0x1] =	stream.indirect_vreg.gather [hbm4b:s5+s3], $0x80, v4, vm0, $0xb8;
	[tilespmem:$0x10200] =	vst v63  }
0x61: {  	v3 =	vadd.s32 v1, v3  }
0x62: {  	[tilespmem:s21], [sflag:$0x1] =	stream.indirect_vreg.gather [hbm4b:s6+s3], $0x80, v4, vm0, $0xb8;
	[tilespmem:$0x10200] =	vst v63  }
0x63: {  	_ = 	snop  }
0x64: {  	[tilespmem:s22], [sflag:$0x1] =	stream.indirect_vreg.gather [hbm4b:s8+s3], $0x80, v4, vm0, $0xb8;
	[tilespmem:$0x10200] =	vst v63  }
0x65: {  	_ = 	snop  }
0x66: {  	[tilespmem:s23], [sflag:$0x1] =	stream.indirect_vreg.gather [hbm4b:s1+s3], $0x80, v3, vm0, $0xb8;
	[tilespmem:$0x10200] =	vst v63  }
0x67: {  	_ = 	snop  }
0x68: {  	[tilespmem:s24], [sflag:$0x1] =	stream.indirect_vreg.gather [hbm4b:s5+s3], $0x80, v3, vm0, $0xb8;
	[tilespmem:$0x10200] =	vst v63  }
0x69: {  	_ = 	snop  }
0x6a: {  	[tilespmem:s25], [sflag:$0x1] =	stream.indirect_vreg.gather [hbm4b:s6+s3], $0x80, v3, vm0, $0xb8;
	[tilespmem:$0x10200] =	vst v63  }
0x6b: {  	_ = 	snop  }
0x6c: {  	[tilespmem:s26], [sflag:$0x1] =	stream.indirect_vreg.gather [hbm4b:s8+s3], $0x80, v3, vm0, $0xb8;
	[tilespmem:$0x10200] =	vst v63  }
0x6d: {  	_ =	swait.ge [sflag:s28], $0x8000  }
0x6e: {  	s0 =	simm.s32 $0x10000;
	[sflag:s28] =	ssyncset.done $0x0  }
0x6f: {  	s2 =	simm.s32 $0x50;
	s11 =	smov.u32 s12;
	[sflag:s28] =	ssyncadd.s32 $0xFFFF8000  }
0x70: {  	[hbm4b:s7+s3] =	stream.linear.scatter [tilespmem:s13], [sflag:$0x2], $0x8000, $0x38;
	[tilespmem:$0x10200] =	vst v63  }
.LBB2_2:
0x71: {  	_ =	swait.ge [sflag:s29], $0x8000  }
0x72: {  	[sflag:s29] =	ssyncset.done $0x0  }
0x73: {  	[sflag:s29] =	ssyncadd.s32 $0xFFFF8000  }
0x74: {  	v3 =	vld [tilespmem:s2+$0xFFFFFFF0];
	_ =	sdelay $0x4  }
0x75: {  	v4 =	vshll.u32 v3, $0x3  }
0x76: {  	v3 =	vand.u32 $0x7, v3;
	v4 =	vand.u32 $0xFFFFFFC0, v4  }
0x77: {  	v3 =	vor.u32 v3, v4  }
0x78: {  	v4 =	vperm.xlane v3, v0;
	_ =	sdelay $0x1  }
0x79: {  	v4 =	vadd.s32 v1, v4;
	_ =	sdelay $0x2  }
0x7a: {  	s15 =	sand.u32 $0x8000, s0  }
0x7b: {  	s16 =	sor.u32 $0x200, s15  }
0x7c: {  	[tilespmem:s16], [sflag:$0x1] =	stream.indirect_vreg.gather [hbm4b:s1+s3], $0x80, v4, vm0, $0xb8;
	[tilespmem:$0x10200] =	vst v63  }
0x7d: {  	v3 =	vperm.xlane v3, v2;
	s16 =	sor.u32 $0xA00, s15  }
0x7e: {  	[tilespmem:s16], [sflag:$0x1] =	stream.indirect_vreg.gather [hbm4b:s5+s3], $0x80, v4, vm0, $0xb8;
	[tilespmem:$0x10200] =	vst v63  }
0x7f: {  	v3 =	vadd.s32 v1, v3;
	s16 =	sor.u32 $0x1200, s15  }
0x80: {  	[tilespmem:s16], [sflag:$0x1] =	stream.indirect_vreg.gather [hbm4b:s6+s3], $0x80, v4, vm0, $0xb8;
	[tilespmem:$0x10200] =	vst v63  }
0x81: {  	s16 =	sor.u32 $0x1A00, s15  }
0x82: {  	[tilespmem:s16], [sflag:$0x1] =	stream.indirect_vreg.gather [hbm4b:s8+s3], $0x80, v4, vm0, $0xb8;
	[tilespmem:$0x10200] =	vst v63  }
0x83: {  	s16 =	sor.u32 $0x2200, s15  }
0x84: {  	[tilespmem:s16], [sflag:$0x1] =	stream.indirect_vreg.gather [hbm4b:s1+s3], $0x80, v3, vm0, $0xb8;
	[tilespmem:$0x10200] =	vst v63  }
0x85: {  	s16 =	sor.u32 $0x2A00, s15  }
0x86: {  	[tilespmem:s16], [sflag:$0x1] =	stream.indirect_vreg.gather [hbm4b:s5+s3], $0x80, v3, vm0, $0xb8;
	[tilespmem:$0x10200] =	vst v63  }
0x87: {  	s16 =	sor.u32 $0x3200, s15  }
0x88: {  	[tilespmem:s16], [sflag:$0x1] =	stream.indirect_vreg.gather [hbm4b:s6+s3], $0x80, v3, vm0, $0xb8;
	[tilespmem:$0x10200] =	vst v63  }
0x89: {  	s16 =	sor.u32 $0x3A00, s15  }
0x8a: {  	[tilespmem:s16], [sflag:$0x1] =	stream.indirect_vreg.gather [hbm4b:s8+s3], $0x80, v3, vm0, $0xb8;
	[tilespmem:$0x10200] =	vst v63  }
0x8b: {  	v3 =	vld [tilespmem:s2+$0x0];
	_ =	sdelay $0x4  }
0x8c: {  	v63 =	vshll.u32 v3, $0x3  }
0x8d: {  	v3 =	vand.u32 $0x7, v3;
	v4 =	vand.u32 $0xFFFFFFC0, v63  }
0x8e: {  	v3 =	vor.u32 v3, v4  }
0x8f: {  	v4 =	vperm.xlane v3, v0;
	_ =	sdelay $0x1  }
0x90: {  	v4 =	vadd.s32 v1, v4;
	_ =	sdelay $0x3  }
0x91: {  	s16 =	sor.u32 $0x4200, s15  }
0x92: {  	[tilespmem:s16], [sflag:$0x1] =	stream.indirect_vreg.gather [hbm4b:s1+s3], $0x80, v4, vm0, $0xb8;
	[tilespmem:$0x10200] =	vst v63  }
0x93: {  	v3 =	vperm.xlane v3, v2;
	s16 =	sor.u32 $0x4A00, s15  }
0x94: {  	[tilespmem:s16], [sflag:$0x1] =	stream.indirect_vreg.gather [hbm4b:s5+s3], $0x80, v4, vm0, $0xb8;
	[tilespmem:$0x10200] =	vst v63  }
0x95: {  	v3 =	vadd.s32 v1, v3;
	s16 =	sor.u32 $0x5200, s15  }
0x96: {  	[tilespmem:s16], [sflag:$0x1] =	stream.indirect_vreg.gather [hbm4b:s6+s3], $0x80, v4, vm0, $0xb8;
	[tilespmem:$0x10200] =	vst v63  }
0x97: {  	s16 =	sor.u32 $0x5A00, s15  }
0x98: {  	[tilespmem:s16], [sflag:$0x1] =	stream.indirect_vreg.gather [hbm4b:s8+s3], $0x80, v4, vm0, $0xb8;
	[tilespmem:$0x10200] =	vst v63  }
0x99: {  	s16 =	sor.u32 $0x6200, s15  }
0x9a: {  	[tilespmem:s16], [sflag:$0x1] =	stream.indirect_vreg.gather [hbm4b:s1+s3], $0x80, v3, vm0, $0xb8;
	[tilespmem:$0x10200] =	vst v63  }
0x9b: {  	s16 =	sor.u32 $0x6A00, s15  }
0x9c: {  	[tilespmem:s16], [sflag:$0x1] =	stream.indirect_vreg.gather [hbm4b:s5+s3], $0x80, v3, vm0, $0xb8;
	[tilespmem:$0x10200] =	vst v63  }
0x9d: {  	s16 =	sor.u32 $0x7200, s15  }
0x9e: {  	[tilespmem:s16], [sflag:$0x1] =	stream.indirect_vreg.gather [hbm4b:s6+s3], $0x80, v3, vm0, $0xb8;
	[tilespmem:$0x10200] =	vst v63  }
0x9f: {  	p0 =	sne.s32 s0, $0x78000;
	s15 =	sor.u32 $0x7A00, s15  }
0xa0: {  	[tilespmem:s15], [sflag:$0x1] =	stream.indirect_vreg.gather [hbm4b:s8+s3], $0x80, v3, vm0, $0xb8;
	[tilespmem:$0x10200] =	vst v63  }
.Ltmp0:
0xa1: {  	s16 =	sadd.s32 $0xFFFF8000, s0;
	_ =	swait.ge [sflag:s28], $0x8000;
	(pc) =	sbr.rel @p0 .LBB2_2-.Ltmp0, $4  }
0xa2: {  	s15 =	sand.u32 $0x8000, s16;
	[sflag:s28] =	ssyncset.done $0x0  }
0xa3: {  	s15 =	sor.u32 $0x200, s15;
	[sflag:s28] =	ssyncadd.s32 $0xFFFF8000  }
0xa4: {  	[hbm4b:s11+s3] =	stream.linear.scatter [tilespmem:s15], [sflag:$0x2], $0x8000, $0x38;
	[tilespmem:$0x10200] =	vst v63  }
0xa5: {  	s2 =	sadd.s32 $0x20, s2;
	s0 =	sadd.s32 $0x8000, s0;
	s11 =	sadd.s32 $0x1000, s11  }
0xa6: {  	_ =	swait.ge [sflag:s28], $0x8000  }
0xa7: {  	[sflag:s28] =	ssyncset.done $0x0  }
0xa8: {  	s30 =	sadd.s32 $0x1, s30;
	[sflag:s28] =	ssyncadd.s32 $0xFFFF8000  }
0xa9: {  	[hbm4b:s9+s3] =	stream.linear.scatter [tilespmem:s31], [sflag:$0x2], $0x8000, $0x38;
	[tilespmem:$0x10200] =	vst v63  }
0xaa: {  	p0 =	sne.s32 s30, s10;
	_ =	swait.ge [sflag:s29], $0x8000  }
.Ltmp1:
0xab: {  	[sflag:s29] =	ssyncset.done $0x0;
	(pc) =	sbr.rel @p0 .LBB2_1-.Ltmp1, $4  }
0xac: {  	[sflag:s29] =	ssyncadd.s32 $0xFFFF8000  }
0xad: {  	_ =	swait.ge [sflag:s29], $0x8000  }
0xae: {  	[sflag:s29] =	ssyncset.done $0x0  }
0xaf: {  	[sflag:s29] =	ssyncadd.s32 $0xFFFF8000  }
0xb0: {  	_ =	sfence.sel $0x180000  }
0xb1: {  	[bflag:$0x0] =	sbarrier.arrive $0xFFFF  }
0xb2: {  	_ =	strace $0x90000047  }
0xb3: {  	s0 =	stileid.u32;
	[bflag:$0x2] =	sbarrier.arrive $0xFFFF  }
0xb4: {  	p0 =	sne.s32 s0, $0x0;
	s0 =	rddreg [dreg:$0x3]  }
0xb5: {  	s0 =	sadd.s32 @!p0 $0x100000, s0  }
0xb6: {  	[sflag:s0] =	ssyncadd.tile.s32 @!p0 $0x1;
	_ =	shalt  }
.Lfunc_end2:
_tile_overlayer_lowered:
.L_overlay_start_2:
0xb7: {  	(tag) =	ssettag $0x2  }
0xb8: {  	s0 =	rddreg [dreg:$0x0];
	s2 =	stileid.u32  }
0xb9: {  	s1 =	rddreg [dreg:$0x1];
	p0 =	sne.s32 s2, $0x0  }
0xba: {  	s3 =	rddreg [dreg:$0x2];
	[bflag:$0x3] =	sbarrier.arrive $0xFFFF;
	s2 =	simm.s32 @!p0 $0x1C03  }
0xbb: {  	[timem:s3], [sflag:s2] =	dma.local @!p0 [hbm:s0], s1  }
0xbc: {  	s0 =	simm.s32 @!p0 $0x3  }
0xbd: {  	_ =	swait.ge @!p0 [sflag:s0], s1  }
0xbe: {  	s1 =	ssub.s32 @!p0 $0x0, s1;
	[sflag:s0] =	ssyncset.done @!p0 $0x0  }
0xbf: {  	[sflag:s0] =	ssyncadd.s32 @!p0 s1  }
0xc0: {  	[bflag:$0x3] =	sbarrier.arrive $0xFFFF  }
0xc1: {  	_ =	shalt  }

</sc_bundles>
